<compile_context>
chip_gen: v7x
topology: tpu7x:2x2x1
jax: 0.10.2.dev20260603
libtpu: 0.0.44.dev20260713+nightly
codegen_flags: <defaults>
</compile_context>

<pallas_src>
import functools

import jax
import jax.numpy as jnp
from jax import lax
from jax.experimental import pallas as pl
from jax.experimental.pallas import tpu as pltpu
from jax.experimental.pallas import tpu_sc as plsc

N = 4096
K = 512
J = 8192
NB = 512
JC = 2048
NI = N // NB
NJC = J // JC
BETA = 0.25
WEIGHT_DECAY = 0.01


def _unfold(z):
    x = z[:, :, None, :, :]
    b, c = x.shape[0], x.shape[1]
    x = jax.image.resize(x, (b, c, 2, 2, 2), method='trilinear')
    b_, c_, d_, h_, w_ = x.shape
    x = x.reshape(b_, c_, d_ // 2, 2, h_ // 2, 2, w_ // 2, 2)
    x = jnp.transpose(x, (0, 1, 3, 5, 7, 2, 4, 6))
    x = x.reshape(b_, c_ * 8, d_ // 2, h_ // 2, w_ // 2)
    x = jnp.squeeze(x, axis=2)
    x = jnp.transpose(x, (0, 2, 3, 1))
    return x.reshape(-1, K)


_WSL = J // NI


def _dist_kernel(s1_ref, s2_ref, zf2_ref, w_ref, idx_ref, colsum_ref):
    a2 = zf2_ref[...]
    s1 = s1_ref[...]
    col = lax.broadcasted_iota(jnp.int32, (NB, JC), 1).astype(jnp.float32)

    def scan_body(jc, carry):
        best, bidx = carry
        wc = w_ref[pl.ds(jc * JC, JC), :]
        mm2 = lax.dot_general(a2, wc, (((1,), (1,)), ((), ())),
                              preferred_element_type=jnp.float32)
        d = (s1 + s2_ref[:, pl.ds(jc * JC, JC)]) - mm2
        lmin = jnp.min(d, axis=1, keepdims=True)
        larg = jnp.min(jnp.where(d == lmin, col, jnp.float32(J)),
                       axis=1, keepdims=True)
        larg = larg + jnp.float32(jc * JC)
        take = lmin < best
        return (jnp.where(take, lmin, best), jnp.where(take, larg, bidx))

    best0 = jnp.full((NB, 1), jnp.inf, jnp.float32)
    bidx0 = jnp.zeros((NB, 1), jnp.float32)
    _, bidx_f = lax.fori_loop(0, NJC, scan_body, (best0, bidx0))
    idx_ref[0, :, :] = bidx_f.astype(jnp.int32)

    i = pl.program_id(0)
    wsl = w_ref[pl.ds(i * _WSL, _WSL), :].astype(jnp.float32)
    colsum_ref[0, :, :] = jnp.sum(jnp.abs(wsl), axis=0, keepdims=True)


def _dist_argmin(zf2b, wb, s1, s2):
    idx, colsums = pl.pallas_call(
        _dist_kernel,
        grid=(NI,),
        in_specs=[
            pl.BlockSpec((NB, 1), lambda i: (i, 0)),
            pl.BlockSpec((1, J), lambda i: (0, 0)),
            pl.BlockSpec((NB, K), lambda i: (i, 0)),
            pl.BlockSpec((J, K), lambda i: (0, 0)),
        ],
        out_specs=[
            pl.BlockSpec((1, NB, 1), lambda i: (i, 0, 0)),
            pl.BlockSpec((1, 1, K), lambda i: (i, 0, 0)),
        ],
        out_shape=[
            jax.ShapeDtypeStruct((NI, NB, 1), jnp.int32),
            jax.ShapeDtypeStruct((NI, 1, K), jnp.float32),
        ],
        compiler_params=pltpu.CompilerParams(
            dimension_semantics=("parallel",)),
    )(s1, s2, zf2b, wb)
    reg = WEIGHT_DECAY * jnp.max(jnp.sum(colsums.reshape(NI, K), axis=0))
    return idx.reshape(N), reg


def _sc_gather(w, idx):
    info = plsc.get_sparse_core_info()
    nw = info.num_cores * info.num_subcores
    b_per_w = N // nw
    mesh = plsc.VectorSubcoreMesh(core_axis_name="c", subcore_axis_name="s")

    @functools.partial(
        pl.kernel, mesh=mesh,
        out_type=jax.ShapeDtypeStruct((N, K), jnp.float32),
        scratch_types=[
            pltpu.VMEM((b_per_w,), jnp.int32),
            pltpu.VMEM((b_per_w, K), jnp.float32),
            pltpu.SemaphoreType.DMA,
        ],
    )
    def gather_kernel(table_hbm, idx_hbm, out_hbm, idx_v, rows_v, sem):
        wid = lax.axis_index("s") * info.num_cores + lax.axis_index("c")
        base = wid * b_per_w
        pltpu.sync_copy(idx_hbm.at[pl.ds(base, b_per_w)], idx_v)
        pltpu.async_copy(table_hbm.at[idx_v], rows_v, sem).wait()
        pltpu.sync_copy(rows_v, out_hbm.at[pl.ds(base, b_per_w)])

    return gather_kernel(w, idx)


_RB = 512
_RG = N // _RB


def _loss_out_kernel(z_ref, zq_ref, out_ref, sums_ref):
    z = z_ref[...]
    zq = zq_ref[...]
    diff = zq - z
    out_ref[...] = z + diff

    p = jnp.stack([
        jnp.sum(diff * diff),
        jnp.sum(zq),
        jnp.sum(z),
        jnp.sum(zq * z),
        jnp.sum(zq * zq),
        jnp.sum(z * z),
        jnp.float32(0.0), jnp.float32(0.0),
    ])
    sums_ref[0, 0, :] = p


def _loss_out(z_flat, zq):
    out, sums = pl.pallas_call(
        _loss_out_kernel,
        grid=(_RG,),
        in_specs=[
            pl.BlockSpec((_RB, K), lambda g: (g, 0)),
            pl.BlockSpec((_RB, K), lambda g: (g, 0)),
        ],
        out_specs=[
            pl.BlockSpec((_RB, K), lambda g: (g, 0)),
            pl.BlockSpec((1, 1, 8), lambda g: (g, 0, 0)),
        ],
        out_shape=[
            jax.ShapeDtypeStruct((N, K), jnp.float32),
            jax.ShapeDtypeStruct((_RG, 1, 8), jnp.float32),
        ],
        compiler_params=pltpu.CompilerParams(
            dimension_semantics=("parallel",)),
    )(z_flat, zq)
    return out, jnp.sum(sums.reshape(_RG, 8), axis=0)


def kernel(z, embedding_weight):
    w = embedding_weight
    zf = _unfold(z)
    s1 = jnp.sum(zf ** 2, axis=1, keepdims=True)
    s2 = jnp.sum(w ** 2, axis=1).reshape(1, J)
    zf2b = (zf * 2).astype(jnp.bfloat16)
    wb = w.astype(jnp.bfloat16)

    idx, reg = _dist_argmin(zf2b, wb, s1, s2)
    zq = _sc_gather(w, idx)

    out_flat, sums = _loss_out(z.reshape(N, K), zq)

    n_tot = jnp.float32(N * K)
    s_d2, s_q, s_z, s_qz, s_q2, s_z2 = [sums[k] for k in range(6)]
    sxy = s_qz - s_q * s_z / n_tot
    sxx = s_q2 - s_q * s_q / n_tot
    syy = s_z2 - s_z * s_z / n_tot
    cost = sxy / (jnp.sqrt(sxx) * jnp.sqrt(syy))
    pearson = 0.5 + 0.5 * cost
    m = s_d2 / n_tot
    loss = BETA * m + m + pearson + reg

    out = jnp.transpose(out_flat.reshape(z.shape), (0, 3, 1, 2))
    return out, loss, idx

# --- scband reference (transcript-rebuilt; emitter-appended) ---
"""Pipeline reference for scband-codebook-bk-35639638622554 (READ-ONLY COPY).

The authoritative reference and input builder live on the scoring server;
editing this copy changes nothing except your own understanding.
"""

import jax, jax.numpy as jnp
import numpy as np

B, C, H, W_SP = 4096, 64, 2, 4
EMB_LEN, EMB_DIM = 8192, 512
BETA = 0.25
WEIGHT_DECAY = 0.01


def _pixelshuffle3d_down(x, s):
    b, c, d, h, w = x.shape
    x = x.reshape(b, c, d // s, s, h // s, s, w // s, s)
    x = jnp.transpose(x, (0, 1, 3, 5, 7, 2, 4, 6))
    return x.reshape(b, c * s ** 3, d // s, h // s, w // s)


def _feature_unfolding(z, s, emb_dim):
    # torch: x = unsqueeze(z, 2); F.interpolate(x, scale_factor, mode='trilinear')
    # NOTE: scale_factor is passed POSITIONALLY into F.interpolate's `size` slot,
    # so the spatial dims are resized to exactly (s, s, s) with align_corners=False
    # (half-pixel centers), which jax.image.resize 'trilinear' matches.
    x = z[:, :, None, :, :]
    b, c = x.shape[0], x.shape[1]
    x = jax.image.resize(x, (b, c, s, s, s), method='trilinear')
    x = _pixelshuffle3d_down(x, s)
    x = jnp.squeeze(x, axis=2)            # [b, c*8, 1, 1]
    x = jnp.transpose(x, (0, 2, 3, 1))    # b c h w -> b h w c
    return x.reshape(-1, emb_dim)


def _forward(z, W):
    sg = jax.lax.stop_gradient
    zf = _feature_unfolding(z, 2, EMB_DIM)
    d = jnp.sum(zf ** 2, axis=1, keepdims=True) + jnp.sum(W ** 2, axis=1) - 2.0 * (zf @ W.T)
    idx = jnp.argmin(d, axis=1)
    z_q = jnp.take(W, idx, axis=0).reshape(z.shape)
    z_det = sg(z)
    vx = z_q - jnp.mean(z_q)
    vy = z_det - jnp.mean(z_det)
    cost = jnp.sum(vx * vy) / (jnp.sqrt(jnp.sum(vx ** 2)) * jnp.sqrt(jnp.sum(vy ** 2)))
    pearson = 0.5 + 0.5 * cost
    # torch.linalg.norm(2D, ord=1) is the matrix 1-norm: max column abs sum
    reg = WEIGHT_DECAY * jnp.max(jnp.sum(jnp.abs(W), axis=0))
    loss = BETA * jnp.mean((sg(z_q) - z) ** 2) + jnp.mean((z_q - z_det) ** 2) + pearson + reg
    z_q_st = z + sg(z_q - z)
    # rearrange 'b h w c -> b c h w' applied to a [b, c, h, w] tensor -> transpose (0, 3, 1, 2)
    out = jnp.transpose(z_q_st, (0, 3, 1, 2))
    return out, loss, idx


def setup_inputs(seed: int = 0):
    key = jax.random.key(seed)
    k1, k2 = jax.random.split(key)
    z = jax.random.normal(k1, (B, C, H, W_SP), dtype=jnp.float32)
    embedding_weight = jax.random.uniform(k2, (EMB_LEN, EMB_DIM), dtype=jnp.float32, minval=-1.0 / EMB_LEN, maxval=1.0 / EMB_LEN)
    return {"z": z, "embedding_weight": embedding_weight}


def reference(z, embedding_weight):
    return _forward(z, embedding_weight)

if __name__ == "__main__":
    import jax
    _d = setup_inputs()
    print(jax.jit(kernel)(*tuple(_d.values())))

</pallas_src>

<mosaic_0001>
#map = affine_map<(d0, d1) -> (0, 0)>
#map1 = affine_map<(d0, d1) -> (0)>
module attributes {stable_mosaic.version = 14 : i64} {
  func.func @gather_kernel(%arg0: i32, %arg1: i32, %arg2: memref<8192x512xf32, #tpu.memory_space<hbm>>, %arg3: memref<4096xi32, #tpu.memory_space<hbm>>, %arg4: memref<4096x512xf32, #tpu.memory_space<hbm>>, %arg5: memref<128xi32, #tpu.memory_space<vmem>>, %arg6: memref<128x512xf32, #tpu.memory_space<vmem>>, %arg7: memref<!tpu.dma_semaphore, #tpu.memory_space<semaphore_mem>>) attributes {dimension_semantics = [#tpu.dimension_semantics<core_parallel>, #tpu.dimension_semantics<subcore_parallel>], iteration_bounds = array<i64: 2, 16>, scalar_prefetch = 0 : i64, scratch_operands = 3 : i64, tpu.core_type = #tpu.core_type<sc_vector_subcore>, window_params = [{transform_indices = #map}, {transform_indices = #map1}, {transform_indices = #map}]} {
    %mul3A = arith.constant 2 : i32
    %mul3A_0 = arith.muli %arg1, %mul3A : i32
    %add3A = arith.addi %mul3A_0, %arg0 : i32
    %mul3A_1 = arith.constant 128 : i32
    %mul3A_2 = arith.muli %add3A, %mul3A_1 : i32
    "tpu.region"() ({
      %run_scoped3A = tpu.sem_alloc : memref<!tpu.dma_semaphore, #tpu.memory_space<semaphore_mem>>
      %dma_start3A_7 = tpu.memref_slice %arg3[%mul3A_2] : memref<4096xi32, #tpu.memory_space<hbm>> -> memref<128xi32, #tpu.memory_space<hbm>>
      %dma_start3A_8 = tpu.memref_slice %arg3[%mul3A_2] : memref<4096xi32, #tpu.memory_space<hbm>> -> memref<128xi32, #tpu.memory_space<hbm>>
      tpu.enqueue_dma source(%dma_start3A_8 : memref<128xi32, #tpu.memory_space<hbm>>) target(%arg5 : memref<128xi32, #tpu.memory_space<vmem>>) target_semaphore(%run_scoped3A : memref<!tpu.dma_semaphore, #tpu.memory_space<semaphore_mem>>)
      %dma_wait3A_9 = tpu.memref_slice %arg3[%mul3A_2] : memref<4096xi32, #tpu.memory_space<hbm>> -> memref<128xi32, #tpu.memory_space<hbm>>
      %dma_wait3A_10 = tpu.memref_slice %arg3[%mul3A_2] : memref<4096xi32, #tpu.memory_space<hbm>> -> memref<128xi32, #tpu.memory_space<hbm>>
      tpu.wait_dma2 semaphore(%run_scoped3A : memref<!tpu.dma_semaphore, #tpu.memory_space<semaphore_mem>>) src(%dma_wait3A_10 : memref<128xi32, #tpu.memory_space<hbm>>) dst(%arg5 : memref<128xi32, #tpu.memory_space<vmem>>)
      tpu.yield
    }) : () -> ()
    %dma_start3A = arith.constant 0 : i32
    %dma_start3A_3 = arith.constant 0 : i32
    %dma_start3A_4 = tpu.memref_slice %arg2[%dma_start3A, %dma_start3A_3] : memref<8192x512xf32, #tpu.memory_space<hbm>> -> memref<8192x512xf32, #tpu.memory_space<hbm>>
    tpu.enqueue_indirect_dma source(%dma_start3A_4 : memref<8192x512xf32, #tpu.memory_space<hbm>>) target(%arg6 : memref<128x512xf32, #tpu.memory_space<vmem>>) offsets(%arg5 : memref<128xi32, #tpu.memory_space<vmem>>) semaphore(%arg7 : memref<!tpu.dma_semaphore, #tpu.memory_space<semaphore_mem>>)
    %dma_wait3A = arith.constant 0 : i32
    %dma_wait3A_5 = arith.constant 0 : i32
    %dma_wait3A_6 = tpu.memref_slice %arg2[%dma_wait3A, %dma_wait3A_5] : memref<8192x512xf32, #tpu.memory_space<hbm>> -> memref<8192x512xf32, #tpu.memory_space<hbm>>
    tpu.wait_indirect_dma semaphore(%arg7 : memref<!tpu.dma_semaphore, #tpu.memory_space<semaphore_mem>>) src(%dma_wait3A_6 : memref<8192x512xf32, #tpu.memory_space<hbm>>) dst(%arg6 : memref<128x512xf32, #tpu.memory_space<vmem>>)
    "tpu.region"() ({
      %run_scoped3A = tpu.sem_alloc : memref<!tpu.dma_semaphore, #tpu.memory_space<semaphore_mem>>
      %dma_start3A_7 = arith.constant 0 : i32
      %dma_start3A_8 = tpu.memref_slice %arg4[%mul3A_2, %dma_start3A_7] : memref<4096x512xf32, #tpu.memory_space<hbm>> -> memref<128x512xf32, #tpu.memory_space<hbm>>
      %dma_start3A_9 = arith.constant 0 : i32
      %dma_start3A_10 = tpu.memref_slice %arg4[%mul3A_2, %dma_start3A_9] : memref<4096x512xf32, #tpu.memory_space<hbm>> -> memref<128x512xf32, #tpu.memory_space<hbm>>
      tpu.enqueue_dma source(%arg6 : memref<128x512xf32, #tpu.memory_space<vmem>>) target(%dma_start3A_10 : memref<128x512xf32, #tpu.memory_space<hbm>>) target_semaphore(%run_scoped3A : memref<!tpu.dma_semaphore, #tpu.memory_space<semaphore_mem>>)
      %dma_wait3A_11 = arith.constant 0 : i32
      %dma_wait3A_12 = tpu.memref_slice %arg4[%mul3A_2, %dma_wait3A_11] : memref<4096x512xf32, #tpu.memory_space<hbm>> -> memref<128x512xf32, #tpu.memory_space<hbm>>
      %dma_wait3A_13 = arith.constant 0 : i32
      %dma_wait3A_14 = tpu.memref_slice %arg4[%mul3A_2, %dma_wait3A_13] : memref<4096x512xf32, #tpu.memory_space<hbm>> -> memref<128x512xf32, #tpu.memory_space<hbm>>
      tpu.wait_dma2 semaphore(%run_scoped3A : memref<!tpu.dma_semaphore, #tpu.memory_space<semaphore_mem>>) src(%arg6 : memref<128x512xf32, #tpu.memory_space<vmem>>) dst(%dma_wait3A_14 : memref<128x512xf32, #tpu.memory_space<hbm>>)
      tpu.yield
    }) : () -> ()
    return
  }
}

module attributes {stable_mosaic.version = 14 : i64} {
  func.func @_dist_kernel(%arg0: i32, %arg1: memref<512x1xf32, #tpu.memory_space<vmem>>, %arg2: memref<1x8192xf32, #tpu.memory_space<vmem>>, %arg3: memref<512x512xbf16, #tpu.memory_space<vmem>>, %arg4: memref<8192x512xbf16, #tpu.memory_space<vmem>>, %arg5: memref<1x512x1xi32, #tpu.memory_space<vmem>>, %arg6: memref<1x1x512xf32, #tpu.memory_space<vmem>>) attributes {dimension_semantics = [#tpu.dimension_semantics<parallel>], iteration_bounds = array<i64: 8>, scalar_prefetch = 0 : i64, scratch_operands = 0 : i64, tpu.core_type = #tpu.core_type<tc>, window_params = [{transform_indices = @transform_0, window_bounds = array<i64: 512, 1>}, {pipeline_mode = #tpu.pipeline_mode<synchronous>, transform_indices = @transform_1, window_bounds = array<i64: 1, 8192>}, {transform_indices = @transform_2, window_bounds = array<i64: 512, 512>}, {pipeline_mode = #tpu.pipeline_mode<synchronous>, transform_indices = @transform_3, window_bounds = array<i64: 8192, 512>}, {transform_indices = @transform_4, window_bounds = array<i64: 1, 512, 1>}, {transform_indices = @transform_5, window_bounds = array<i64: 1, 1, 512>}]} {
    %get3A = arith.constant 0 : index
    %get3A_0 = arith.constant 0 : index
    %get3A_1 = vector.load %arg3[%get3A, %get3A_0] : memref<512x512xbf16, #tpu.memory_space<vmem>>, vector<512x512xbf16>
    %get3A_2 = arith.constant 0 : index
    %get3A_3 = arith.constant 0 : index
    %get3A_4 = vector.load %arg1[%get3A_2, %get3A_3] : memref<512x1xf32, #tpu.memory_space<vmem>>, vector<512x1xf32>
    %iota3A = tpu.iota {dimensions = array<i32: 1>} : vector<512x2048xi32>
    %convert_element_type3A = arith.sitofp %iota3A : vector<512x2048xi32> to vector<512x2048xf32>
    %broadcast_in_dim3A = arith.constant 0x7F800000 : f32
    %broadcast_in_dim3A_5 = vector.broadcast %broadcast_in_dim3A : f32 to vector<512x1xf32>
    %broadcast_in_dim3A_6 = arith.constant 0.000000e+00 : f32
    %broadcast_in_dim3A_7 = vector.broadcast %broadcast_in_dim3A_6 : f32 to vector<512x1xf32>
    %scan3A = arith.constant 0 : i32
    %scan3A_8 = arith.constant 4 : i32
    %scan3A_9 = arith.addi %scan3A, %scan3A_8 : i32
    %scan3A_10 = arith.constant 1 : i32
    %scan3A_11:2 = scf.for %scan3A_32 = %scan3A to %scan3A_9 step %scan3A_10 iter_args(%scan3A_33 = %broadcast_in_dim3A_5, %scan3A_34 = %broadcast_in_dim3A_7) -> (vector<512x1xf32>, vector<512x1xf32>)  : i32 {
      %mul3A_35 = arith.constant 2048 : i32
      %mul3A_36 = arith.muli %scan3A_32, %mul3A_35 : i32
      %get3A_37 = arith.index_cast %mul3A_36 : i32 to index
      %get3A_38 = arith.constant 0 : index
      %get3A_39 = vector.load %arg4[%get3A_37, %get3A_38] : memref<8192x512xbf16, #tpu.memory_space<vmem>>, vector<2048x512xbf16>
      %dot_general3A = arith.constant dense<0.000000e+00> : vector<512x2048xf32>
      %dot_general3A_40 = tpu.matmul %get3A_1, %get3A_39, %dot_general3A {dimension_numbers = #tpu.dot_dimension_numbers<[1], [1], [0], [0], [0, 0, 1, 0], [], []>, transpose_lhs_hint = false} : vector<512x512xbf16>, vector<2048x512xbf16>, vector<512x2048xf32> -> vector<512x2048xf32>
      %mul3A_41 = arith.constant 2048 : i32
      %mul3A_42 = arith.muli %scan3A_32, %mul3A_41 : i32
      %get3A_43 = arith.constant 0 : index
      %get3A_44 = arith.index_cast %mul3A_42 : i32 to index
      %get3A_45 = vector.load %arg2[%get3A_43, %get3A_44] : memref<1x8192xf32, #tpu.memory_space<vmem>>, vector<1x2048xf32>
      %add3A = vector.broadcast %get3A_4 : vector<512x1xf32> to vector<512x2048xf32>
      %add3A_46 = vector.broadcast %get3A_45 : vector<1x2048xf32> to vector<512x2048xf32>
      %add3A_47 = arith.addf %add3A, %add3A_46 : vector<512x2048xf32>
      %sub3A = arith.subf %add3A_47, %dot_general3A_40 : vector<512x2048xf32>
      %reduce_min3A = arith.constant dense<0x7F800000> : vector<512xf32>
      %reduce_min3A_48 = vector.multi_reduction <minimumf>, %sub3A, %reduce_min3A [1] : vector<512x2048xf32> to vector<512xf32>
      %broadcast_in_dim3A_49 = vector.shape_cast %reduce_min3A_48 : vector<512xf32> to vector<512x1xf32>
      %eq3A = vector.broadcast %broadcast_in_dim3A_49 : vector<512x1xf32> to vector<512x2048xf32>
      %eq3A_50 = arith.cmpf oeq, %sub3A, %eq3A : vector<512x2048xf32>
      %jit3A = arith.constant 8.192000e+03 : f32
      %broadcast_in_dim3A_51 = vector.broadcast %jit3A : f32 to vector<512x2048xf32>
      %select_n3A = arith.select %eq3A_50, %convert_element_type3A, %broadcast_in_dim3A_51 : vector<512x2048xi1>, vector<512x2048xf32>
      %reduce_min3A_52 = arith.constant dense<0x7F800000> : vector<512xf32>
      %reduce_min3A_53 = vector.multi_reduction <minimumf>, %select_n3A, %reduce_min3A_52 [1] : vector<512x2048xf32> to vector<512xf32>
      %broadcast_in_dim3A_54 = vector.shape_cast %reduce_min3A_53 : vector<512xf32> to vector<512x1xf32>
      %mul3A_55 = arith.constant 2048 : i32
      %mul3A_56 = arith.muli %scan3A_32, %mul3A_55 : i32
      %convert_element_type3A_57 = arith.sitofp %mul3A_56 : i32 to f32
      %add3A_58 = vector.broadcast %convert_element_type3A_57 : f32 to vector<512x1xf32>
      %add3A_59 = arith.addf %broadcast_in_dim3A_54, %add3A_58 : vector<512x1xf32>
      %lt3A = arith.cmpf olt, %broadcast_in_dim3A_49, %scan3A_33 : vector<512x1xf32>
      %select_n3A_60 = arith.select %lt3A, %broadcast_in_dim3A_49, %scan3A_33 : vector<512x1xi1>, vector<512x1xf32>
      %select_n3A_61 = arith.select %lt3A, %add3A_59, %scan3A_34 : vector<512x1xi1>, vector<512x1xf32>
      scf.yield %select_n3A_60, %select_n3A_61 : vector<512x1xf32>, vector<512x1xf32>
    }
    %scan3A_12 = arith.constant 4 : i32
    %convert_element_type3A_13 = arith.fptosi %scan3A_11#1 : vector<512x1xf32> to vector<512x1xi32>
    %swap3A = arith.constant 0 : index
    %swap3A_14 = arith.constant 0 : index
    %swap3A_15 = arith.constant 0 : index
    %swap3A_16 = vector.load %arg5[%swap3A, %swap3A_14, %swap3A_15] : memref<1x512x1xi32, #tpu.memory_space<vmem>>, vector<1x512x1xi32>
    %swap3A_17 = vector.shape_cast %swap3A_16 : vector<1x512x1xi32> to vector<512x1xi32>
    %swap3A_18 = vector.shape_cast %convert_element_type3A_13 : vector<512x1xi32> to vector<1x512x1xi32>
    tpu.vector_store %arg5[%swap3A, %swap3A_14, %swap3A_15], %swap3A_18 {strides = array<i32>} : memref<1x512x1xi32, #tpu.memory_space<vmem>>, vector<1x512x1xi32>,
    %mul3A = arith.constant 1024 : i32
    %mul3A_19 = arith.muli %arg0, %mul3A : i32
    %get3A_20 = arith.index_cast %mul3A_19 : i32 to index
    %get3A_21 = arith.constant 0 : index
    %get3A_22 = vector.load %arg4[%get3A_20, %get3A_21] : memref<8192x512xbf16, #tpu.memory_space<vmem>>, vector<1024x512xbf16>
    %convert_element_type3A_23 = arith.extf %get3A_22 : vector<1024x512xbf16> to vector<1024x512xf32>
    %abs3A = math.absf %convert_element_type3A_23 : vector<1024x512xf32>
    %reduce_sum3A = arith.constant dense<0.000000e+00> : vector<512xf32>
    %reduce_sum3A_24 = vector.multi_reduction <add>, %abs3A, %reduce_sum3A [0] : vector<1024x512xf32> to vector<512xf32>
    %broadcast_in_dim3A_25 = vector.shape_cast %reduce_sum3A_24 : vector<512xf32> to vector<1x512xf32>
    %swap3A_26 = arith.constant 0 : index
    %swap3A_27 = arith.constant 0 : index
    %swap3A_28 = arith.constant 0 : index
    %swap3A_29 = vector.load %arg6[%swap3A_26, %swap3A_27, %swap3A_28] : memref<1x1x512xf32, #tpu.memory_space<vmem>>, vector<1x1x512xf32>
    %swap3A_30 = vector.shape_cast %swap3A_29 : vector<1x1x512xf32> to vector<1x512xf32>
    %swap3A_31 = vector.shape_cast %broadcast_in_dim3A_25 : vector<1x512xf32> to vector<1x1x512xf32>
    tpu.vector_store %arg6[%swap3A_26, %swap3A_27, %swap3A_28], %swap3A_31 {strides = array<i32>} : memref<1x1x512xf32, #tpu.memory_space<vmem>>, vector<1x1x512xf32>,
    return
  }
  func.func @transform_0(%arg0: i32) -> (i32, i32) {
    %c0_i32 = arith.constant 0 : i32
    %c0_i32_0 = arith.constant 0 : i32
    return %arg0, %c0_i32 : i32, i32
  }
  func.func @transform_1(%arg0: i32) -> (i32, i32) {
    %c0_i32 = arith.constant 0 : i32
    %c0_i32_0 = arith.constant 0 : i32
    %c0_i32_1 = arith.constant 0 : i32
    return %c0_i32, %c0_i32_0 : i32, i32
  }
  func.func @transform_2(%arg0: i32) -> (i32, i32) {
    %c0_i32 = arith.constant 0 : i32
    %c0_i32_0 = arith.constant 0 : i32
    return %arg0, %c0_i32 : i32, i32
  }
  func.func @transform_3(%arg0: i32) -> (i32, i32) {
    %c0_i32 = arith.constant 0 : i32
    %c0_i32_0 = arith.constant 0 : i32
    %c0_i32_1 = arith.constant 0 : i32
    return %c0_i32, %c0_i32_0 : i32, i32
  }
  func.func @transform_4(%arg0: i32) -> (i32, i32, i32) {
    %c0_i32 = arith.constant 0 : i32
    %c0_i32_0 = arith.constant 0 : i32
    %c0_i32_1 = arith.constant 0 : i32
    return %arg0, %c0_i32, %c0_i32_0 : i32, i32, i32
  }
  func.func @transform_5(%arg0: i32) -> (i32, i32, i32) {
    %c0_i32 = arith.constant 0 : i32
    %c0_i32_0 = arith.constant 0 : i32
    %c0_i32_1 = arith.constant 0 : i32
    return %arg0, %c0_i32, %c0_i32_0 : i32, i32, i32
  }
}

module attributes {stable_mosaic.version = 14 : i64} {
  func.func @_loss_out_kernel(%arg0: i32, %arg1: memref<512x512xf32, #tpu.memory_space<vmem>>, %arg2: memref<512x512xf32, #tpu.memory_space<vmem>>, %arg3: memref<512x512xf32, #tpu.memory_space<vmem>>, %arg4: memref<1x1x8xf32, #tpu.memory_space<vmem>>) attributes {dimension_semantics = [#tpu.dimension_semantics<parallel>], iteration_bounds = array<i64: 8>, scalar_prefetch = 0 : i64, scratch_operands = 0 : i64, tpu.core_type = #tpu.core_type<tc>, window_params = [{transform_indices = @transform_0, window_bounds = array<i64: 512, 512>}, {transform_indices = @transform_1, window_bounds = array<i64: 512, 512>}, {transform_indices = @transform_2, window_bounds = array<i64: 512, 512>}, {transform_indices = @transform_3, window_bounds = array<i64: 1, 1, 8>}]} {
    %get3A = arith.constant 0 : index
    %get3A_0 = arith.constant 0 : index
    %get3A_1 = vector.load %arg1[%get3A, %get3A_0] : memref<512x512xf32, #tpu.memory_space<vmem>>, vector<512x512xf32>
    %get3A_2 = arith.constant 0 : index
    %get3A_3 = arith.constant 0 : index
    %get3A_4 = vector.load %arg2[%get3A_2, %get3A_3] : memref<512x512xf32, #tpu.memory_space<vmem>>, vector<512x512xf32>
    %sub3A = arith.subf %get3A_4, %get3A_1 : vector<512x512xf32>
    %add3A = arith.addf %get3A_1, %sub3A : vector<512x512xf32>
    %swap3A = arith.constant 0 : index
    %swap3A_5 = arith.constant 0 : index
    %swap3A_6 = vector.load %arg3[%swap3A, %swap3A_5] : memref<512x512xf32, #tpu.memory_space<vmem>>, vector<512x512xf32>
    tpu.vector_store %arg3[%swap3A, %swap3A_5], %add3A {strides = array<i32>} : memref<512x512xf32, #tpu.memory_space<vmem>>, vector<512x512xf32>,
    %mul3A = arith.mulf %sub3A, %sub3A : vector<512x512xf32>
    %reduce_sum3A = vector.shape_cast %mul3A : vector<512x512xf32> to vector<1x512x512xf32>
    %reduce_sum3A_7 = arith.constant dense<0.000000e+00> : vector<1xf32>
    %reduce_sum3A_8 = vector.multi_reduction <add>, %reduce_sum3A, %reduce_sum3A_7 [1, 2] : vector<1x512x512xf32> to vector<1xf32>
    %reduce_sum3A_9 = vector.shape_cast %reduce_sum3A_8 : vector<1xf32> to vector<1x1x1xf32>
    %reduce_sum3A_10 = vector.extract %reduce_sum3A_9[0, 0, 0] : f32 from vector<1x1x1xf32>
    %reduce_sum3A_11 = vector.shape_cast %get3A_4 : vector<512x512xf32> to vector<1x512x512xf32>
    %reduce_sum3A_12 = arith.constant dense<0.000000e+00> : vector<1xf32>
    %reduce_sum3A_13 = vector.multi_reduction <add>, %reduce_sum3A_11, %reduce_sum3A_12 [1, 2] : vector<1x512x512xf32> to vector<1xf32>
    %reduce_sum3A_14 = vector.shape_cast %reduce_sum3A_13 : vector<1xf32> to vector<1x1x1xf32>
    %reduce_sum3A_15 = vector.extract %reduce_sum3A_14[0, 0, 0] : f32 from vector<1x1x1xf32>
    %reduce_sum3A_16 = vector.shape_cast %get3A_1 : vector<512x512xf32> to vector<1x512x512xf32>
    %reduce_sum3A_17 = arith.constant dense<0.000000e+00> : vector<1xf32>
    %reduce_sum3A_18 = vector.multi_reduction <add>, %reduce_sum3A_16, %reduce_sum3A_17 [1, 2] : vector<1x512x512xf32> to vector<1xf32>
    %reduce_sum3A_19 = vector.shape_cast %reduce_sum3A_18 : vector<1xf32> to vector<1x1x1xf32>
    %reduce_sum3A_20 = vector.extract %reduce_sum3A_19[0, 0, 0] : f32 from vector<1x1x1xf32>
    %mul3A_21 = arith.mulf %get3A_4, %get3A_1 : vector<512x512xf32>
    %reduce_sum3A_22 = vector.shape_cast %mul3A_21 : vector<512x512xf32> to vector<1x512x512xf32>
    %reduce_sum3A_23 = arith.constant dense<0.000000e+00> : vector<1xf32>
    %reduce_sum3A_24 = vector.multi_reduction <add>, %reduce_sum3A_22, %reduce_sum3A_23 [1, 2] : vector<1x512x512xf32> to vector<1xf32>
    %reduce_sum3A_25 = vector.shape_cast %reduce_sum3A_24 : vector<1xf32> to vector<1x1x1xf32>
    %reduce_sum3A_26 = vector.extract %reduce_sum3A_25[0, 0, 0] : f32 from vector<1x1x1xf32>
    %mul3A_27 = arith.mulf %get3A_4, %get3A_4 : vector<512x512xf32>
    %reduce_sum3A_28 = vector.shape_cast %mul3A_27 : vector<512x512xf32> to vector<1x512x512xf32>
    %reduce_sum3A_29 = arith.constant dense<0.000000e+00> : vector<1xf32>
    %reduce_sum3A_30 = vector.multi_reduction <add>, %reduce_sum3A_28, %reduce_sum3A_29 [1, 2] : vector<1x512x512xf32> to vector<1xf32>
    %reduce_sum3A_31 = vector.shape_cast %reduce_sum3A_30 : vector<1xf32> to vector<1x1x1xf32>
    %reduce_sum3A_32 = vector.extract %reduce_sum3A_31[0, 0, 0] : f32 from vector<1x1x1xf32>
    %mul3A_33 = arith.mulf %get3A_1, %get3A_1 : vector<512x512xf32>
    %reduce_sum3A_34 = vector.shape_cast %mul3A_33 : vector<512x512xf32> to vector<1x512x512xf32>
    %reduce_sum3A_35 = arith.constant dense<0.000000e+00> : vector<1xf32>
    %reduce_sum3A_36 = vector.multi_reduction <add>, %reduce_sum3A_34, %reduce_sum3A_35 [1, 2] : vector<1x512x512xf32> to vector<1xf32>
    %reduce_sum3A_37 = vector.shape_cast %reduce_sum3A_36 : vector<1xf32> to vector<1x1x1xf32>
    %reduce_sum3A_38 = vector.extract %reduce_sum3A_37[0, 0, 0] : f32 from vector<1x1x1xf32>
    %stack3A = arith.constant 0.000000e+00 : f32
    %stack3A_39 = arith.constant 0.000000e+00 : f32
    %stack3A_40 = vector.broadcast %reduce_sum3A_10 : f32 to vector<1xf32>
    %stack3A_41 = vector.broadcast %reduce_sum3A_15 : f32 to vector<1xf32>
    %stack3A_42 = vector.broadcast %reduce_sum3A_20 : f32 to vector<1xf32>
    %stack3A_43 = vector.broadcast %reduce_sum3A_26 : f32 to vector<1xf32>
    %stack3A_44 = vector.broadcast %reduce_sum3A_32 : f32 to vector<1xf32>
    %stack3A_45 = vector.broadcast %reduce_sum3A_38 : f32 to vector<1xf32>
    %stack3A_46 = vector.broadcast %stack3A : f32 to vector<1xf32>
    %stack3A_47 = vector.broadcast %stack3A_39 : f32 to vector<1xf32>
    %stack3A_48 = tpu.concatenate %stack3A_40, %stack3A_41, %stack3A_42, %stack3A_43, %stack3A_44, %stack3A_45, %stack3A_46, %stack3A_47 in 0 : vector<1xf32>, vector<1xf32>, vector<1xf32>, vector<1xf32>, vector<1xf32>, vector<1xf32>, vector<1xf32>, vector<1xf32> -> vector<8xf32>
    %swap3A_49 = arith.constant 0 : index
    %swap3A_50 = arith.constant 0 : index
    %swap3A_51 = arith.constant 0 : index
    %swap3A_52 = vector.load %arg4[%swap3A_49, %swap3A_50, %swap3A_51] : memref<1x1x8xf32, #tpu.memory_space<vmem>>, vector<1x1x8xf32>
    %swap3A_53 = vector.shape_cast %swap3A_52 : vector<1x1x8xf32> to vector<8xf32>
    %swap3A_54 = vector.shape_cast %stack3A_48 : vector<8xf32> to vector<1x1x8xf32>
    tpu.vector_store %arg4[%swap3A_49, %swap3A_50, %swap3A_51], %swap3A_54 {strides = array<i32>} : memref<1x1x8xf32, #tpu.memory_space<vmem>>, vector<1x1x8xf32>,
    return
  }
  func.func @transform_0(%arg0: i32) -> (i32, i32) {
    %c0_i32 = arith.constant 0 : i32
    %c0_i32_0 = arith.constant 0 : i32
    return %arg0, %c0_i32 : i32, i32
  }
  func.func @transform_1(%arg0: i32) -> (i32, i32) {
    %c0_i32 = arith.constant 0 : i32
    %c0_i32_0 = arith.constant 0 : i32
    return %arg0, %c0_i32 : i32, i32
  }
  func.func @transform_2(%arg0: i32) -> (i32, i32) {
    %c0_i32 = arith.constant 0 : i32
    %c0_i32_0 = arith.constant 0 : i32
    return %arg0, %c0_i32 : i32, i32
  }
  func.func @transform_3(%arg0: i32) -> (i32, i32, i32) {
    %c0_i32 = arith.constant 0 : i32
    %c0_i32_0 = arith.constant 0 : i32
    %c0_i32_1 = arith.constant 0 : i32
    return %arg0, %c0_i32, %c0_i32_0 : i32, i32, i32
  }
}

</mosaic_0001>

<sc_bundles>
// kernel: kernel.5.cloned.1.call-start
scs
__scs_entry_jumppad:
0x0: {  	(pc) =	sbr.rel $0x88, $3  }
0x1: {  	(tag) =	ssettag $0x0;
	lr =	simm.s32 $0x1  }
0x2: {  	[smem:$0x3F9F] =	sst lr;
	_ =	strace $0xD0000000  }
0x3: {  	_ = 	snop  }
0x4: {  	_ = 	snop  }
0x5: {  	_ = 	snop  }
0x6: {  	_ = 	snop  }
0x7: {  	_ = 	snop  }
__scs_overlays_trampoline_lowered:
0x8: {  	[smem:$0x3FAE] =	sst s0  }
0x9: {  	[smem:$0x3FAF] =	sst s1  }
0xa: {  	[smem:$0x3FB0] =	sst s2  }
0xb: {  	[smem:$0x3FB1] =	sst s3  }
0xc: {  	[smem:$0x3FB2] =	sst s4  }
0xd: {  	[smem:$0x3FB3] =	sst s5  }
0xe: {  	[smem:$0x3FB4] =	sst s6  }
0xf: {  	[smem:$0x3FB5] =	sst s7  }
0x10: {  	[smem:$0x3FB6] =	sst s8  }
0x11: {  	[smem:$0x3FB7] =	sst s9;
	s0 =	simm.s32 @!p0 $0x0  }
0x12: {  	s1 =	sld [smem:$0x3F9D];
	s0 =	simm.s32 @p0 $0x1  }
0x13: {  	[smem:$0x3FB8] =	sst s0;
	s0 =	simm.s32 @!p1 $0x0  }
0x14: {  	s2 =	sld [smem:$0x3F9C];
	s0 =	simm.s32 @p1 $0x1  }
0x15: {  	[smem:$0x3FB9] =	sst s0;
	s0 =	simm.s32 @!p2 $0x0  }
0x16: {  	s3 =	sld [smem:$0x3FDB];
	s0 =	simm.s32 @p2 $0x1  }
0x17: {  	s4 =	simm.s32 $0x1BF5;
	[smem:$0x3FBB] =	sst s0  }
0x18: {  	s0 =	sld [smem:$0x3F9E];
	_ =	swait.ge [sflag:s4], $0x0  }
0x19: {  	s7 =	sld [smem:$0x3F9F]  }
0x1a: {  	s8 =	sadd.s32 $0xFFFFE003, lr  }
0x1b: {  	s9 =	sadd.s32 $0xFFFFFEF7, lr;
	s5 =	simm.s32 $0xFFFFFFFF;
	p2 =	slt.u32 s8, $0xFFFFF086  }
0x1c: {  	p1 =	slt.u32 s9, $0xF7A;
	s5 =	simm.s32 @!p2 $0x0  }
0x1d: {  	s5 =	simm.s32 @p1 $0x1;
	p0 =	seq.s32 s7, s2  }
0x1e: {  	s7 =	smul.u32 @!p0 $0xF7A, s2;
	p2 =	seq.s32 @!p0 s5, $0x0  }
0x1f: {  	s9 =	smul.u32 $0xF7A, s1;
	s8 =	simm.s32 @!p0 $0x1BF5;
	p2 =	por !p2, p0  }
0x20: {  	[sflag:s8] =	ssyncset.s32 @!p0 $0xFFFFF086;
	s6 =	sadd.s32 @!p0 s3, s7;
	s7 =	simm.s32 @!p0 $0x108  }
0x21: {  	s3 =	sadd.s32 s3, s9;
	s6 =	sadd.s32 @!p0 $0x88, s6;
	s7 =	simm.s32 @p2 $0x1082  }
0x22: {  	[simem:s7], [sflag:s8] =	dma.local @!p0 [hbm:s6], $0xF7A  }
0x23: {  	s9 =	sor.u32 $0xD0000000, s2;
	s6 =	simm.s32 $0x108;
	_ =	swait.ge @!p0 [sflag:s8], $0x0  }
0x24: {  	s3 =	sadd.s32 $0x88, s3;
	s6 =	simm.s32 @!p1 $0x1082;
	[sflag:s4] =	ssyncset.s32 $0xFFFFF086  }
0x25: {  	[simem:s6], [sflag:s4] =	dma.local [hbm:s3], $0xF7A  }
0x26: {  	[smem:$0x3F9F] =	sst s1;
	(tag) =	ssettag s2;
	_ =	strace s9  }
0x27: {  	s1 =	sld [smem:$0x3FAF]  }
0x28: {  	s2 =	sld [smem:$0x3FB0]  }
0x29: {  	s4 =	sld [smem:$0x3FB2]  }
0x2a: {  	p0 =	seq.s32 s5, $0x0;
	s5 =	sld [smem:$0x3FB3]  }
0x2b: {  	s6 =	sld [smem:$0x3FB4]  }
0x2c: {  	s7 =	sld [smem:$0x3FB5]  }
0x2d: {  	s3 =	simm.s32 $0x108;
	s8 =	sld [smem:$0x3FB6]  }
0x2e: {  	s3 =	simm.s32 @!p0 $0x1082;
	s9 =	sld [smem:$0x3FB7]  }
0x2f: {  	lr =	sadd.s32 s0, s3;
	s0 =	sld [smem:$0x3FAE]  }
0x30: {  	s3 =	sld [smem:$0x3FB1]  }
0x31: {  	[smem:$0x3FBA] =	sst s10  }
0x32: {  	s10 =	sld [smem:$0x3FB8];
	_ =	sdelay $0x3  }
0x33: {  	p0 =	seq.s32 s10, $0x1;
	s10 =	sld [smem:$0x3FBA];
	_ =	sdelay $0x3  }
0x34: {  	[smem:$0x3FBA] =	sst s10  }
0x35: {  	s10 =	sld [smem:$0x3FB9];
	_ =	sdelay $0x3  }
0x36: {  	p1 =	seq.s32 s10, $0x1;
	s10 =	sld [smem:$0x3FBA];
	_ =	sdelay $0x3  }
0x37: {  	[smem:$0x3FBA] =	sst s10  }
0x38: {  	s10 =	sld [smem:$0x3FBB]  }
0x39: {  	_ = 	snop;
	(pc) =	sbr.ind lr, $3  }
0x3a: {  	_ = 	snop  }
0x3b: {  	_ = 	snop  }
0x3c: {  	p2 =	seq.s32 s10, $0x1;
	s10 =	sld [smem:$0x3FBA]  }
0x3d: {  	_ =	shalt  }
0x3e: {  	_ =	shalt  }
0x3f: {  	_ =	shalt  }
0x40: {  	_ =	shalt  }
0x41: {  	_ =	shalt  }
0x42: {  	_ =	shalt  }
0x43: {  	_ =	shalt  }
0x44: {  	_ =	shalt  }
0x45: {  	_ =	shalt  }
0x46: {  	_ =	shalt  }
0x47: {  	_ =	shalt  }
0x48: {  	_ =	shalt  }
0x49: {  	_ =	shalt  }
0x4a: {  	_ =	shalt  }
0x4b: {  	_ =	shalt  }
0x4c: {  	_ =	shalt  }
0x4d: {  	_ =	shalt  }
0x4e: {  	_ =	shalt  }
0x4f: {  	_ =	shalt  }
0x50: {  	_ =	shalt  }
0x51: {  	_ =	shalt  }
0x52: {  	_ =	shalt  }
0x53: {  	_ =	shalt  }
0x54: {  	_ =	shalt  }
0x55: {  	_ =	shalt  }
0x56: {  	_ =	shalt  }
0x57: {  	_ =	shalt  }
0x58: {  	_ =	shalt  }
0x59: {  	_ =	shalt  }
0x5a: {  	_ =	shalt  }
0x5b: {  	_ =	shalt  }
0x5c: {  	_ =	shalt  }
0x5d: {  	_ =	shalt  }
0x5e: {  	_ =	shalt  }
0x5f: {  	_ =	shalt  }
0x60: {  	_ =	shalt  }
0x61: {  	_ =	shalt  }
0x62: {  	_ =	shalt  }
0x63: {  	_ =	shalt  }
0x64: {  	_ =	shalt  }
0x65: {  	_ =	shalt  }
0x66: {  	_ =	shalt  }
0x67: {  	_ =	shalt  }
0x68: {  	_ =	shalt  }
0x69: {  	_ =	shalt  }
0x6a: {  	_ =	shalt  }
0x6b: {  	_ =	shalt  }
0x6c: {  	_ =	shalt  }
0x6d: {  	_ =	shalt  }
0x6e: {  	_ =	shalt  }
0x6f: {  	_ =	shalt  }
0x70: {  	_ =	shalt  }
0x71: {  	_ =	shalt  }
0x72: {  	_ =	shalt  }
0x73: {  	_ =	shalt  }
0x74: {  	_ =	shalt  }
0x75: {  	_ =	shalt  }
0x76: {  	_ =	shalt  }
0x77: {  	_ =	shalt  }
0x78: {  	_ =	shalt  }
0x79: {  	_ =	shalt  }
0x7a: {  	_ =	shalt  }
0x7b: {  	_ =	shalt  }
0x7c: {  	_ =	shalt  }
0x7d: {  	_ =	shalt  }
0x7e: {  	_ =	shalt  }
0x7f: {  	_ =	shalt  }
0x80: {  	_ =	shalt  }
0x81: {  	_ =	shalt  }
0x82: {  	_ =	shalt  }
0x83: {  	_ =	shalt  }
0x84: {  	_ =	shalt  }
0x85: {  	_ =	shalt  }
0x86: {  	_ =	shalt  }
0x87: {  	_ =	shalt  }
.Lfunc_end0:
.L_simem_size_0:
called_computation_lowered:
.L_overlay_start_0:
0x88: {  	s2 =	sld [smem:$0x3FD9]  }
0x89: {  	s3 =	sld [smem:$0x3FFE];
	_ =	sdelay $0x1  }
0x8a: {  	s1 =	srdreg.scid  }
0x8b: {  	s0 =	sand.u32 $0x1, s1  }
0x8c: {  	s15 =	sshll.u32 s0, $0xA;
	s2 =	sadd.s32 s3, s2  }
0x8d: {  	s2 =	sadd.s32 s2, s15  }
0x8e: {  	[smem:$0x3FC6] =	sst s2  }
0x8f: {  	_ = 	snop  }
0x90: {  	s2 =	sld [smem:$0x3FD0];
	_ =	sdelay $0x2  }
0x91: {  	s4 =	simm.s32 $0xA;
	s5 =	simm.s32 $0x10;
	s16 =	sld [smem:$0x3FC8]  }
0x92: {  	[smem:s5], [sflag:s4] =	dma.local [hbm:s2], $0x1  }
0x93: {  	_ =	swait.eq [sflag:s4], $0x1  }
0x94: {  	[sflag:s4] =	ssyncset.done $0x0  }
0x95: {  	s17 =	sld [smem:$0x10];
	[sflag:s4] =	ssyncadd.s32 $0xFFFFFFFF  }
0x96: {  	s18 =	sld [smem:$0x12];
	(tm) =	ssettm $0x1  }
0x97: {  	s19 =	sld [smem:$0x3FFB];
	_ =	sdelay $0x3  }
0x98: {  	_ =	strace s19  }
0x99: {  	s5 =	sld [smem:$0x3FFC];
	_ =	sdelay $0x3  }
0x9a: {  	_ =	strace s5  }
0x9b: {  	s5 =	sld [smem:$0x3FFD];
	_ =	sdelay $0x3  }
0x9c: {  	_ =	strace s5  }
0x9d: {  	_ =	strace $0x8FFFFFFF  }
0x9e: {  	s20 =	sld [smem:$0x3FDB];
	_ =	sdelay $0x1  }
0x9f: {  	s6 =	simm.s32 $_scs_section_size  }
0xa0: {  	s7 =	simm.s32 $_size__tile_overlayer_lowered;
	s8 =	simm.s32 $_tile_overlayer_lowered  }
0xa1: {  	s23 =	simm.s32 $0x1BFF;
	s22 =	sshll.u32 s8, $0x1;
	s5 =	sadd.s32 s6, s20  }
0xa2: {  	s9 =	simm.s32 $0x0;
	s21 =	sshll.u32 s7, $0x1;
	s7 =	sadd.s32 s22, s5  }
0xa3: {  	[timem:s9], [sflag:s23] =	dma.local [hbm:s7], s21  }
0xa4: {  	_ =	swait.ge [sflag:s23], s21  }
0xa5: {  	s6 =	ssub.s32 $0x0, s21;
	[sflag:s23] =	ssyncset.done $0x0  }
0xa6: {  	[sflag:s23] =	ssyncadd.s32 s6;
	_ =	sdelay $0x1  }
0xa7: {  	s24 =	simm.s32 $0x1B8B  }
0xa8: {  	_ =	swait.ge [sflag:s24], $0x1  }
0xa9: {  	[sflag:s24] =	ssyncset.done $0x0  }
0xaa: {  	s25 =	simm.s32 $0x1B8E;
	[sflag:s24] =	ssyncadd.s32 $0xFFFFFFFF  }
0xab: {  	s26 =	simm.s32 $execute0_lowered;
	[smem:$0x3FD2] =	sst s25  }
0xac: {  	s6 =	sshll.u32 s26, $0x1;
	_ =	strace $0x80000046;
	[dreg:$0x1] =	wrdreg $0xFFFFFFFF  }
0xad: {  	s28 =	simm.s32 $_size_execute0_lowered;
	s5 =	sadd.s32 s5, s6;
	[dreg:$0x0] =	wrdreg $0x0  }
0xae: {  	s6 =	sshll.u32 s28, $0x1;
	[dreg:$0x2] =	wrdreg s5  }
0xaf: {  	[dreg:$0x3] =	wrdreg s6  }
0xb0: {  	[dreg:$0x4] =	wrdreg $0xC0  }
0xb1: {  	_ =	task [dreg:s9], $0x5FFFF  }
0xb2: {  	[dreg:$0x1] =	wrdreg $0xFFFFFFFF  }
0xb3: {  	[dreg:$0x0] =	wrdreg $0x60  }
0xb4: {  	[dreg:$0x2] =	wrdreg s16  }
0xb5: {  	[dreg:$0x3] =	wrdreg s18  }
0xb6: {  	[dreg:$0x4] =	wrdreg s17  }
0xb7: {  	[dreg:$0x5] =	wrdreg $0x9  }
0xb8: {  	_ =	task.clear_ibuf [dreg:s9], $0x6FFFF;
	_ =	strace $0x90000046  }
0xb9: {  	s29 =	simm.s32 $0x9;
	_ =	strace $0x80000048  }
0xba: {  	_ =	swait.ge [sflag:s29], $0x1  }
0xbb: {  	[sflag:s29] =	ssyncadd.s32 $0xFFFFFFFF  }
0xbc: {  	_ =	strace $0x90000048  }
0xbd: {  	_ =	sfence  }
0xbe: {  	s30 =	sld [smem:$0x0];
	_ =	sdelay $0x2  }
0xbf: {  	s31 =	sshll.u32 s1, $0xD;
	s1 =	sshrl.u32 s1, $0x2  }
0xc0: {  	s3 =	sand.u32 $0x4000, s31;
	s1 =	sadd.s32 s1, s30  }
0xc1: {  	s0 =	sor.u32 s3, s0;
	s1 =	sshll.u32 s1, $0x11  }
0xc2: {  	s0 =	sor.u32 s1, s0  }
0xc3: {  	s0 =	sadd.s32 $0x8F2B, s0  }
0xc4: {  	[sflag:s0] =	ssyncadd.remote.s32 $0x1  }
0xc5: {  	_ =	sfence.sel $0xFFFF  }
0xc6: {  	[dreg:$0x0] =	wrdreg $0xFFFFFFFF;
	(pc) =	sbr.abs _section_cstart, $3  }
0xc7: {  	[dreg:$0x1] =	wrdreg $0xFFFFFFFF  }
0xc8: {  	_ =	task.clear_ibuf [dreg:s9], $0x2FFFF;
	_ =	strace $0x9FFFFFFF  }
0xc9: {  	(tm) =	ssettm $0x7FFFFFFF  }
tec
execute0_lowered:
.L_overlay_start_1:
0x0: {  	(tag) =	ssettag $0x1  }
0x1: {  	s1 =	rddreg [dreg:$0x0];
	s2 =	srdreg.scid  }
0x2: {  	s4 =	rddreg [dreg:$0x1];
	s0 =	stileid.u32  }
0x3: {  	s5 =	rddreg [dreg:$0x2];
	s3 =	simm.s32 $0x0;
	s18 =	simm.s32 $0x880  }
0x4: {  	s19 =	simm.s32 $0x1080;
	s20 =	simm.s32 $0x1880;
	s21 =	simm.s32 $0x2080  }
0x5: {  	s23 =	simm.s32 $0x2880;
	s24 =	simm.s32 $0x3080;
	s25 =	simm.s32 $0x3880  }
0x6: {  	s26 =	simm.s32 $0x4080;
	s9 =	simm.s32 $0x5080;
	[smem:$0x7FF] =	sst s3  }
0x7: {  	s10 =	simm.s32 $0x5880;
	_ =	strace $0x80000047;
	[dreg:$0x6] =	wrdreg s18  }
0x8: {  	s11 =	simm.s32 $0x6080;
	s12 =	simm.s32 $0x6880;
	[dreg:$0x7] =	wrdreg s19  }
0x9: {  	s13 =	simm.s32 $0x7080;
	s14 =	simm.s32 $0x7880;
	[dreg:$0x8] =	wrdreg s20  }
0xa: {  	s15 =	simm.s32 $0x8080;
	s16 =	simm.s32 $0x8880;
	[dreg:$0x9] =	wrdreg s21  }
0xb: {  	s28 =	simm.s32 $0xE080;
	s29 =	simm.s32 $0xE880;
	[dreg:$0xa] =	wrdreg s23  }
0xc: {  	s30 =	simm.s32 $0xF080;
	s31 =	simm.s32 $0xF880;
	[dreg:$0xb] =	wrdreg s24  }
0xd: {  	s2 =	sand.u32 $0x1, s2;
	s6 =	sshll.u32 s0, $0x8;
	[dreg:$0xc] =	wrdreg s25  }
0xe: {  	s7 =	sshll.u32 s2, $0x7;
	s2 =	ssub.s32 $0x2, s2;
	[dreg:$0xd] =	wrdreg s26  }
0xf: {  	s18 =	simm.s32 $0x9880;
	s19 =	simm.s32 $0xA080;
	s20 =	simm.s32 $0xA880  }
0x10: {  	s21 =	simm.s32 $0xB080;
	s23 =	simm.s32 $0xC080;
	s24 =	simm.s32 $0xC880  }
0x11: {  	s25 =	simm.s32 $0xD080;
	s26 =	simm.s32 $0xD880;
	s6 =	sor.u32 s7, s6  }
0x12: {  	s22 =	sshrl.u32 s2, $0x1;
	s7 =	sshrl.u32 s6, $0x3;
	s6 =	sshll.u32 s6, $0x6  }
0x13: {  	s2 =	ssub.s32 s2, s22;
	s22 =	simm.s32 $0xB880;
	s4 =	sadd.s32 s4, s7  }
0x14: {  	v2 =	vlaneseq.u32;
	s17 =	sadd.s32 s5, s6;
	s5 =	smax.u32 s2, $0x1;
	s6 =	simm.s32 $0x2  }
0x15: {  	vm0 =	vmmov $0xffff;
	v1 =	vshrl.u32 v2, $0x3;
	s7 =	simm.s32 $0x80;
	s2 =	simm.s32 $0x1;
	[dreg:$0x4] =	wrdreg s4  }
0x16: {  	v0 =	vand.u32 $0x7, v2;
	v2 =	vor.u32 $0x8, v2;
	v1 =	vmul.u32 $0x8, v1;
	[dreg:$0x5] =	wrdreg s17;
	s4 =	sadd.s32 $0x100, s1;
	s17 =	simm.s32 $0x9080  }
.LBB2_1:
0x17: {  	s0 =	rddreg [dreg:$0x4]  }
0x18: {  	[tilespmem:s3], [sflag:$0x2] =	stream.linear.gather [hbm4b:s0+s3], $0x80, $0x38;
	[tilespmem:$0x10080] =	vst v63  }
0x19: {  	_ =	swait.ge [sflag:s6], $0x80  }
0x1a: {  	[sflag:s6] =	ssyncset.done $0x0  }
0x1b: {  	[sflag:s6] =	ssyncadd.s32 $0xFFFFFF80  }
0x1c: {  	v3 =	vld [tilespmem:$0x0];
	_ =	sdelay $0x4  }
0x1d: {  	v4 =	vshll.u32 v3, $0x2  }
0x1e: {  	v3 =	vand.u32 $0x7, v3;
	v4 =	vand.u32 $0xFFFFFFE0, v4  }
0x1f: {  	v3 =	vor.u32 v3, v4  }
0x20: {  	v4 =	vperm.xlane v3, v0;
	_ =	sdelay $0x1  }
0x21: {  	v4 =	vadd.s32 v1, v4;
	_ =	sdelay $0x1  }
0x22: {  	v3 =	vperm.xlane v3, v2;
	_ =	sdelay $0x1  }
0x23: {  	v3 =	vadd.s32 v1, v3  }
0x24: {  	[tilespmem:s7], [sflag:$0x1] =	stream.indirect_vreg.gather [hbm4b:s1+s3], $0x80, v4, vm0, $0xb8;
	[tilespmem:$0x10080] =	vst v63  }
0x25: {  	s0 =	rddreg [dreg:$0x6]  }
0x26: {  	[tilespmem:s0], [sflag:$0x1] =	stream.indirect_vreg.gather [hbm4b:s4+s3], $0x80, v4, vm0, $0xb8;
	[tilespmem:$0x10080] =	vst v63  }
0x27: {  	s8 =	rddreg [dreg:$0x7]  }
0x28: {  	[tilespmem:s8], [sflag:$0x1] =	stream.indirect_vreg.gather [hbm4b:s1+s3], $0x80, v3, vm0, $0xb8;
	[tilespmem:$0x10080] =	vst v63  }
0x29: {  	s0 =	rddreg [dreg:$0x8]  }
0x2a: {  	[tilespmem:s0], [sflag:$0x1] =	stream.indirect_vreg.gather [hbm4b:s4+s3], $0x80, v3, vm0, $0xb8;
	[tilespmem:$0x10080] =	vst v63  }
0x2b: {  	v3 =	vld [tilespmem:$0x10];
	_ =	sdelay $0x4  }
0x2c: {  	v57 =	vshll.u32 v3, $0x2  }
0x2d: {  	v3 =	vand.u32 $0x7, v3;
	v4 =	vand.u32 $0xFFFFFFE0, v57  }
0x2e: {  	v3 =	vor.u32 v3, v4  }
0x2f: {  	v4 =	vperm.xlane v3, v0;
	_ =	sdelay $0x1  }
0x30: {  	v4 =	vadd.s32 v1, v4;
	_ =	sdelay $0x1  }
0x31: {  	v3 =	vperm.xlane v3, v2;
	_ =	sdelay $0x1  }
0x32: {  	s0 =	rddreg [dreg:$0x9];
	v3 =	vadd.s32 v1, v3  }
0x33: {  	[tilespmem:s0], [sflag:$0x1] =	stream.indirect_vreg.gather [hbm4b:s1+s3], $0x80, v4, vm0, $0xb8;
	[tilespmem:$0x10080] =	vst v63  }
0x34: {  	s8 =	rddreg [dreg:$0xa]  }
0x35: {  	[tilespmem:s8], [sflag:$0x1] =	stream.indirect_vreg.gather [hbm4b:s4+s3], $0x80, v4, vm0, $0xb8;
	[tilespmem:$0x10080] =	vst v63  }
0x36: {  	s0 =	rddreg [dreg:$0xb]  }
0x37: {  	[tilespmem:s0], [sflag:$0x1] =	stream.indirect_vreg.gather [hbm4b:s1+s3], $0x80, v3, vm0, $0xb8;
	[tilespmem:$0x10080] =	vst v63  }
0x38: {  	s8 =	rddreg [dreg:$0xc]  }
0x39: {  	[tilespmem:s8], [sflag:$0x1] =	stream.indirect_vreg.gather [hbm4b:s4+s3], $0x80, v3, vm0, $0xb8;
	[tilespmem:$0x10080] =	vst v63  }
0x3a: {  	v3 =	vld [tilespmem:$0x20];
	_ =	sdelay $0x4  }
0x3b: {  	v58 =	vshll.u32 v3, $0x2  }
0x3c: {  	v3 =	vand.u32 $0x7, v3;
	v4 =	vand.u32 $0xFFFFFFE0, v58  }
0x3d: {  	v3 =	vor.u32 v3, v4  }
0x3e: {  	v4 =	vperm.xlane v3, v0;
	_ =	sdelay $0x1  }
0x3f: {  	v4 =	vadd.s32 v1, v4;
	_ =	sdelay $0x1  }
0x40: {  	v3 =	vperm.xlane v3, v2;
	_ =	sdelay $0x1  }
0x41: {  	s8 =	rddreg [dreg:$0xd];
	v3 =	vadd.s32 v1, v3  }
0x42: {  	[tilespmem:s8], [sflag:$0x1] =	stream.indirect_vreg.gather [hbm4b:s1+s3], $0x80, v4, vm0, $0xb8;
	[tilespmem:$0x10080] =	vst v63  }
0x43: {  	s8 =	simm.s32 $0x4880  }
0x44: {  	[tilespmem:s8], [sflag:$0x1] =	stream.indirect_vreg.gather [hbm4b:s4+s3], $0x80, v4, vm0, $0xb8;
	[tilespmem:$0x10080] =	vst v63  }
0x45: {  	_ = 	snop  }
0x46: {  	[tilespmem:s9], [sflag:$0x1] =	stream.indirect_vreg.gather [hbm4b:s1+s3], $0x80, v3, vm0, $0xb8;
	[tilespmem:$0x10080] =	vst v63  }
0x47: {  	_ = 	snop  }
0x48: {  	[tilespmem:s10], [sflag:$0x1] =	stream.indirect_vreg.gather [hbm4b:s4+s3], $0x80, v3, vm0, $0xb8;
	[tilespmem:$0x10080] =	vst v63  }
0x49: {  	v3 =	vld [tilespmem:$0x30];
	_ =	sdelay $0x4  }
0x4a: {  	v59 =	vshll.u32 v3, $0x2  }
0x4b: {  	v3 =	vand.u32 $0x7, v3;
	v4 =	vand.u32 $0xFFFFFFE0, v59  }
0x4c: {  	v3 =	vor.u32 v3, v4  }
0x4d: {  	v4 =	vperm.xlane v3, v0;
	_ =	sdelay $0x1  }
0x4e: {  	v4 =	vadd.s32 v1, v4;
	_ =	sdelay $0x1  }
0x4f: {  	v3 =	vperm.xlane v3, v2;
	_ =	sdelay $0x1  }
0x50: {  	v3 =	vadd.s32 v1, v3  }
0x51: {  	[tilespmem:s11], [sflag:$0x1] =	stream.indirect_vreg.gather [hbm4b:s1+s3], $0x80, v4, vm0, $0xb8;
	[tilespmem:$0x10080] =	vst v63  }
0x52: {  	_ = 	snop  }
0x53: {  	[tilespmem:s12], [sflag:$0x1] =	stream.indirect_vreg.gather [hbm4b:s4+s3], $0x80, v4, vm0, $0xb8;
	[tilespmem:$0x10080] =	vst v63  }
0x54: {  	_ = 	snop  }
0x55: {  	[tilespmem:s13], [sflag:$0x1] =	stream.indirect_vreg.gather [hbm4b:s1+s3], $0x80, v3, vm0, $0xb8;
	[tilespmem:$0x10080] =	vst v63  }
0x56: {  	_ = 	snop  }
0x57: {  	[tilespmem:s14], [sflag:$0x1] =	stream.indirect_vreg.gather [hbm4b:s4+s3], $0x80, v3, vm0, $0xb8;
	[tilespmem:$0x10080] =	vst v63  }
0x58: {  	v3 =	vld [tilespmem:$0x40];
	_ =	sdelay $0x4  }
0x59: {  	v60 =	vshll.u32 v3, $0x2  }
0x5a: {  	v3 =	vand.u32 $0x7, v3;
	v4 =	vand.u32 $0xFFFFFFE0, v60  }
0x5b: {  	v3 =	vor.u32 v3, v4  }
0x5c: {  	v4 =	vperm.xlane v3, v0;
	_ =	sdelay $0x1  }
0x5d: {  	v4 =	vadd.s32 v1, v4;
	_ =	sdelay $0x1  }
0x5e: {  	v3 =	vperm.xlane v3, v2;
	_ =	sdelay $0x1  }
0x5f: {  	v3 =	vadd.s32 v1, v3  }
0x60: {  	[tilespmem:s15], [sflag:$0x1] =	stream.indirect_vreg.gather [hbm4b:s1+s3], $0x80, v4, vm0, $0xb8;
	[tilespmem:$0x10080] =	vst v63  }
0x61: {  	_ = 	snop  }
0x62: {  	[tilespmem:s16], [sflag:$0x1] =	stream.indirect_vreg.gather [hbm4b:s4+s3], $0x80, v4, vm0, $0xb8;
	[tilespmem:$0x10080] =	vst v63  }
0x63: {  	_ = 	snop  }
0x64: {  	[tilespmem:s17], [sflag:$0x1] =	stream.indirect_vreg.gather [hbm4b:s1+s3], $0x80, v3, vm0, $0xb8;
	[tilespmem:$0x10080] =	vst v63  }
0x65: {  	_ = 	snop  }
0x66: {  	[tilespmem:s18], [sflag:$0x1] =	stream.indirect_vreg.gather [hbm4b:s4+s3], $0x80, v3, vm0, $0xb8;
	[tilespmem:$0x10080] =	vst v63  }
0x67: {  	v3 =	vld [tilespmem:$0x50];
	_ =	sdelay $0x4  }
0x68: {  	v61 =	vshll.u32 v3, $0x2  }
0x69: {  	v3 =	vand.u32 $0x7, v3;
	v4 =	vand.u32 $0xFFFFFFE0, v61  }
0x6a: {  	v3 =	vor.u32 v3, v4  }
0x6b: {  	v4 =	vperm.xlane v3, v0;
	_ =	sdelay $0x1  }
0x6c: {  	v4 =	vadd.s32 v1, v4;
	_ =	sdelay $0x1  }
0x6d: {  	v3 =	vperm.xlane v3, v2;
	_ =	sdelay $0x1  }
0x6e: {  	v3 =	vadd.s32 v1, v3  }
0x6f: {  	[tilespmem:s19], [sflag:$0x1] =	stream.indirect_vreg.gather [hbm4b:s1+s3], $0x80, v4, vm0, $0xb8;
	[tilespmem:$0x10080] =	vst v63  }
0x70: {  	_ = 	snop  }
0x71: {  	[tilespmem:s20], [sflag:$0x1] =	stream.indirect_vreg.gather [hbm4b:s4+s3], $0x80, v4, vm0, $0xb8;
	[tilespmem:$0x10080] =	vst v63  }
0x72: {  	_ = 	snop  }
0x73: {  	[tilespmem:s21], [sflag:$0x1] =	stream.indirect_vreg.gather [hbm4b:s1+s3], $0x80, v3, vm0, $0xb8;
	[tilespmem:$0x10080] =	vst v63  }
0x74: {  	_ = 	snop  }
0x75: {  	[tilespmem:s22], [sflag:$0x1] =	stream.indirect_vreg.gather [hbm4b:s4+s3], $0x80, v3, vm0, $0xb8;
	[tilespmem:$0x10080] =	vst v63  }
0x76: {  	v3 =	vld [tilespmem:$0x60];
	_ =	sdelay $0x4  }
0x77: {  	v62 =	vshll.u32 v3, $0x2  }
0x78: {  	v3 =	vand.u32 $0x7, v3;
	v4 =	vand.u32 $0xFFFFFFE0, v62  }
0x79: {  	v3 =	vor.u32 v3, v4  }
0x7a: {  	v4 =	vperm.xlane v3, v0;
	_ =	sdelay $0x1  }
0x7b: {  	v4 =	vadd.s32 v1, v4;
	_ =	sdelay $0x1  }
0x7c: {  	v3 =	vperm.xlane v3, v2;
	_ =	sdelay $0x1  }
0x7d: {  	v3 =	vadd.s32 v1, v3  }
0x7e: {  	[tilespmem:s23], [sflag:$0x1] =	stream.indirect_vreg.gather [hbm4b:s1+s3], $0x80, v4, vm0, $0xb8;
	[tilespmem:$0x10080] =	vst v63  }
0x7f: {  	_ = 	snop  }
0x80: {  	[tilespmem:s24], [sflag:$0x1] =	stream.indirect_vreg.gather [hbm4b:s4+s3], $0x80, v4, vm0, $0xb8;
	[tilespmem:$0x10080] =	vst v63  }
0x81: {  	_ = 	snop  }
0x82: {  	[tilespmem:s25], [sflag:$0x1] =	stream.indirect_vreg.gather [hbm4b:s1+s3], $0x80, v3, vm0, $0xb8;
	[tilespmem:$0x10080] =	vst v63  }
0x83: {  	_ = 	snop  }
0x84: {  	[tilespmem:s26], [sflag:$0x1] =	stream.indirect_vreg.gather [hbm4b:s4+s3], $0x80, v3, vm0, $0xb8;
	[tilespmem:$0x10080] =	vst v63  }
0x85: {  	v3 =	vld [tilespmem:$0x70];
	_ =	sdelay $0x4  }
0x86: {  	v63 =	vshll.u32 v3, $0x2  }
0x87: {  	v3 =	vand.u32 $0x7, v3;
	v4 =	vand.u32 $0xFFFFFFE0, v63  }
0x88: {  	v3 =	vor.u32 v3, v4  }
0x89: {  	v4 =	vperm.xlane v3, v0;
	_ =	sdelay $0x1  }
0x8a: {  	v4 =	vadd.s32 v1, v4;
	_ =	sdelay $0x1  }
0x8b: {  	v3 =	vperm.xlane v3, v2;
	_ =	sdelay $0x1  }
0x8c: {  	v3 =	vadd.s32 v1, v3  }
0x8d: {  	[tilespmem:s28], [sflag:$0x1] =	stream.indirect_vreg.gather [hbm4b:s1+s3], $0x80, v4, vm0, $0xb8;
	[tilespmem:$0x10080] =	vst v63  }
0x8e: {  	_ = 	snop  }
0x8f: {  	[tilespmem:s29], [sflag:$0x1] =	stream.indirect_vreg.gather [hbm4b:s4+s3], $0x80, v4, vm0, $0xb8;
	[tilespmem:$0x10080] =	vst v63  }
0x90: {  	_ = 	snop  }
0x91: {  	[tilespmem:s30], [sflag:$0x1] =	stream.indirect_vreg.gather [hbm4b:s1+s3], $0x80, v3, vm0, $0xb8;
	[tilespmem:$0x10080] =	vst v63  }
0x92: {  	_ = 	snop  }
0x93: {  	[tilespmem:s31], [sflag:$0x1] =	stream.indirect_vreg.gather [hbm4b:s4+s3], $0x80, v3, vm0, $0xb8;
	[tilespmem:$0x10080] =	vst v63  }
0x94: {  	_ =	swait.ge [sflag:s2], $0x10000  }
0x95: {  	p0 =	sne.s32 s5, $0x1;
	[sflag:s2] =	ssyncset.done $0x0  }
.Ltmp0:
0x96: {  	s8 =	rddreg [dreg:$0x5];
	[sflag:s2] =	ssyncadd.s32 $0xFFFF0000;
	(pc) =	sbr.rel @p0 .LBB2_1-.Ltmp0, $4  }
0x97: {  	[hbm4b:s8+s3] =	stream.linear.scatter [tilespmem:s7], [sflag:$0x2], $0x10000, $0x38;
	[tilespmem:$0x10080] =	vst v63  }
0x98: {  	_ =	swait.ge [sflag:s6], $0x10000  }
0x99: {  	[sflag:s6] =	ssyncset.done $0x0  }
0x9a: {  	s5 =	sadd.s32 $0xFFFFFFFF, s5;
	[sflag:s6] =	ssyncadd.s32 $0xFFFF0000  }
0x9b: {  	_ =	sfence.sel $0x180000  }
0x9c: {  	[bflag:$0x0] =	sbarrier.arrive $0xFFFF  }
0x9d: {  	_ =	strace $0x90000047  }
0x9e: {  	s0 =	stileid.u32;
	[bflag:$0x2] =	sbarrier.arrive $0xFFFF  }
0x9f: {  	p0 =	sne.s32 s0, $0x0;
	s0 =	rddreg [dreg:$0x3]  }
0xa0: {  	s0 =	sadd.s32 @!p0 $0x100000, s0  }
0xa1: {  	[sflag:s0] =	ssyncadd.tile.s32 @!p0 $0x1;
	_ =	shalt  }
.Lfunc_end2:
_tile_overlayer_lowered:
.L_overlay_start_2:
0xa2: {  	(tag) =	ssettag $0x2  }
0xa3: {  	s0 =	rddreg [dreg:$0x0];
	s2 =	stileid.u32  }
0xa4: {  	s1 =	rddreg [dreg:$0x1];
	p0 =	sne.s32 s2, $0x0  }
0xa5: {  	s3 =	rddreg [dreg:$0x2];
	[bflag:$0x3] =	sbarrier.arrive $0xFFFF;
	s2 =	simm.s32 @!p0 $0x1C02  }
0xa6: {  	[timem:s3], [sflag:s2] =	dma.local @!p0 [hbm:s0], s1  }
0xa7: {  	s0 =	simm.s32 @!p0 $0x2  }
0xa8: {  	_ =	swait.ge @!p0 [sflag:s0], s1  }
0xa9: {  	s1 =	ssub.s32 @!p0 $0x0, s1;
	[sflag:s0] =	ssyncset.done @!p0 $0x0  }
0xaa: {  	[sflag:s0] =	ssyncadd.s32 @!p0 s1  }
0xab: {  	[bflag:$0x3] =	sbarrier.arrive $0xFFFF  }
0xac: {  	_ =	shalt  }

</sc_bundles>
